<compile_context>
chip_gen: v7x
topology: tpu7x:2x2x1
jax: 0.10.2.dev20260603
libtpu: 0.0.44.dev20260713+nightly
codegen_flags: <defaults>
</compile_context>

<pallas_src>
import functools

import jax
import jax.numpy as jnp
from jax import lax
from jax.experimental import pallas as pl
from jax.experimental.pallas import tpu as pltpu
from jax.experimental.pallas import tpu_sc as plsc

R_SIZE = 10000
C_SIZE = 5000
FEAT = 128
BATCH = 4096

CB = 200
NC_GRID = C_SIZE // CB

_F32 = jnp.float32


def _dot(a, b, dims):
    return lax.dot_general(a, b, (dims, ((), ())),
                           preferred_element_type=_F32)


def _embed_body(at_ref, rw_ref, cw_ref, w_ref, hr_ref, hc_ref,
                rowagg_ref, rowdeg_ref):
    i = pl.program_id(0)
    w1 = w_ref[:FEAT, :]
    w2 = w_ref[FEAT:, :]
    at = at_ref[...]
    atb = at.astype(jnp.bfloat16)
    rwb = rw_ref[...].astype(jnp.bfloat16)
    cwb = cw_ref[...].astype(jnp.bfloat16)

    coldeg = jnp.maximum(jnp.sum(at, axis=1, keepdims=True), 1.0)
    neigh_c = _dot(atb, rwb, ((1,), (0,))) / coldeg
    hcin = jnp.concatenate([cw_ref[...], neigh_c], axis=1)
    hc = _dot(hcin, w_ref[...], ((1,), (0,)))
    hc_ref[...] = jnp.maximum(hc, 0.0)

    part_t = _dot(cwb, atb, ((0,), (0,)))
    psum = jnp.sum(at, axis=0, keepdims=True)

    @pl.when(i == 0)
    def _init():
        rowagg_ref[...] = part_t
        rowdeg_ref[...] = psum

    @pl.when(i > 0)
    def _acc():
        rowagg_ref[...] += part_t
        rowdeg_ref[...] += psum

    @pl.when(i == NC_GRID - 1)
    def _finish():
        recip = 1.0 / jnp.maximum(rowdeg_ref[...], 1.0)
        ones = jnp.ones((1, FEAT), _F32)
        deg_b = _dot(recip, ones, ((0,), (0,)))
        hr = (_dot(rw_ref[...], w1, ((1,), (0,)))
              + _dot(rowagg_ref[...], w2, ((0,), (0,))) * deg_b)
        hr_ref[...] = jnp.maximum(hr, 0.0)


def _embed(A, R_weight, C_weight, W):
    return pl.pallas_call(
        _embed_body,
        grid=(NC_GRID,),
        in_specs=[
            pl.BlockSpec((CB, R_SIZE), lambda i: (i, 0)),
            pl.BlockSpec((R_SIZE, FEAT), lambda i: (0, 0)),
            pl.BlockSpec((CB, FEAT), lambda i: (i, 0)),
            pl.BlockSpec((2 * FEAT, FEAT), lambda i: (0, 0)),
        ],
        out_specs=[
            pl.BlockSpec((R_SIZE, FEAT), lambda i: (0, 0)),
            pl.BlockSpec((CB, FEAT), lambda i: (i, 0)),
        ],
        out_shape=[
            jax.ShapeDtypeStruct((R_SIZE, FEAT), _F32),
            jax.ShapeDtypeStruct((C_SIZE, FEAT), _F32),
        ],
        scratch_shapes=[
            pltpu.VMEM((FEAT, R_SIZE), _F32),
            pltpu.VMEM((1, R_SIZE), _F32),
        ],
        compiler_params=pltpu.CompilerParams(
            dimension_semantics=("arbitrary",),
        ),
    )(A.T, R_weight, C_weight, W)



_NC = 2
_NS = 16
_NW = _NC * _NS
_BPW = BATCH // _NW
_GROUPS = _BPW // 16


def _score_body(hr_hbm, hc_hbm, rb_hbm, ci_hbm, cj_hbm,
                oi_hbm, oj_hbm,
                rb_v, ci_v, cj_v, hr_v, hci_v, hcj_v, oi_v, oj_v,
                sem1, sem2, sem3):
    wid = lax.axis_index("s") * _NC + lax.axis_index("c")
    base = wid * _BPW

    pltpu.sync_copy(rb_hbm.at[pl.ds(base, _BPW)], rb_v)
    pltpu.sync_copy(ci_hbm.at[pl.ds(base, _BPW)], ci_v)
    pltpu.sync_copy(cj_hbm.at[pl.ds(base, _BPW)], cj_v)

    cp1 = pltpu.async_copy(hr_hbm.at[rb_v], hr_v, sem1)
    cp2 = pltpu.async_copy(hc_hbm.at[ci_v], hci_v, sem2)
    cp3 = pltpu.async_copy(hc_hbm.at[cj_v], hcj_v, sem3)
    cp1.wait()
    cp2.wait()
    cp3.wait()

    lane = lax.iota(jnp.int32, 16)

    def per_group(g, _):
        def per_row(r, carry):
            res_i, res_j = carry
            b = g * 16 + r
            ai = jnp.zeros((16,), _F32)
            aj = jnp.zeros((16,), _F32)
            for k in range(FEAT // 16):
                rv = hr_v[b, pl.ds(k * 16, 16)]
                ai += rv * hci_v[b, pl.ds(k * 16, 16)]
                aj += rv * hcj_v[b, pl.ds(k * 16, 16)]
            res_i = jnp.where(lane == r, jnp.sum(ai), res_i)
            res_j = jnp.where(lane == r, jnp.sum(aj), res_j)
            return res_i, res_j

        zero = jnp.zeros((16,), _F32)
        res_i, res_j = lax.fori_loop(0, 16, per_row, (zero, zero))
        oi_v[pl.ds(g * 16, 16)] = res_i
        oj_v[pl.ds(g * 16, 16)] = res_j
        return 0

    lax.fori_loop(0, _GROUPS, per_group, 0)

    pltpu.sync_copy(oi_v, oi_hbm.at[pl.ds(base, _BPW)])
    pltpu.sync_copy(oj_v, oj_hbm.at[pl.ds(base, _BPW)])


@functools.lru_cache(maxsize=1)
def _get_score():
    return functools.partial(
        pl.kernel,
        mesh=plsc.VectorSubcoreMesh(core_axis_name="c", subcore_axis_name="s"),
        compiler_params=pltpu.CompilerParams(needs_layout_passes=False),
        out_type=[
            jax.ShapeDtypeStruct((BATCH,), _F32),
            jax.ShapeDtypeStruct((BATCH,), _F32),
        ],
        scratch_types=[
            pltpu.VMEM((_BPW,), jnp.int32),
            pltpu.VMEM((_BPW,), jnp.int32),
            pltpu.VMEM((_BPW,), jnp.int32),
            pltpu.VMEM((_BPW, FEAT), _F32),
            pltpu.VMEM((_BPW, FEAT), _F32),
            pltpu.VMEM((_BPW, FEAT), _F32),
            pltpu.VMEM((_BPW,), _F32),
            pltpu.VMEM((_BPW,), _F32),
            pltpu.SemaphoreType.DMA,
            pltpu.SemaphoreType.DMA,
            pltpu.SemaphoreType.DMA,
        ],
    )(_score_body)


def kernel(A, R_weight, C_weight, W, report_batch, code_i_batch, code_j_batch):
    hr, hc = _embed(A, R_weight, C_weight, W)
    pred_i, pred_j = _get_score()(hr, hc,
                            report_batch.astype(jnp.int32),
                            code_i_batch.astype(jnp.int32),
                            code_j_batch.astype(jnp.int32))
    return (pred_i, pred_j)

# --- scband reference (transcript-rebuilt; emitter-appended) ---
"""Pipeline reference for scband-relational-graph-model-43585328119849 (READ-ONLY COPY).

The authoritative reference and input builder live on the scoring server;
editing this copy changes nothing except your own understanding.
"""

import jax, jax.numpy as jnp
import numpy as np

REPORT_SIZE = 10000
CODE_SIZE = 5000
FEAT = 128
BATCH = 4096


def setup_inputs(seed: int = 0) -> dict:
    key = jax.random.key(seed)
    ks = jax.random.split(key, 8)
    A = jax.random.uniform(ks[0], (REPORT_SIZE, CODE_SIZE), dtype=jnp.float32)
    report_batch = jax.random.randint(ks[1], (BATCH,), 0, REPORT_SIZE)
    code_i_batch = jax.random.randint(ks[2], (BATCH,), 0, CODE_SIZE)
    code_j_batch = jax.random.randint(ks[3], (BATCH,), 0, CODE_SIZE)
    R_weight = jax.random.normal(ks[4], (REPORT_SIZE, FEAT), dtype=jnp.float32)
    C_weight = jax.random.normal(ks[5], (CODE_SIZE, FEAT), dtype=jnp.float32)
    W = jax.random.normal(ks[6], (2 * FEAT, FEAT), dtype=jnp.float32) * 0.05
    return {
        "A": A,
        "R_weight": R_weight,
        "C_weight": C_weight,
        "W": W,
        "report_batch": report_batch,
        "code_i_batch": code_i_batch,
        "code_j_batch": code_j_batch,
    }


def _agg_report(A, R_weight, C_weight, W, batch):
    # RelationalGraphLayer, mode='report': self embedding + mean-aggregate
    # code-neighbor features weighted by adjacency rows, then linear combine.
    rows = A[batch]  # gather [B, code_size]
    deg = jnp.clip(jnp.sum(rows, axis=1, keepdims=True), 1.0, None)
    neigh = (rows @ C_weight) / deg
    self_feat = R_weight[batch]
    return jnp.concatenate([self_feat, neigh], axis=1) @ W


def _agg_code(A, R_weight, C_weight, W, batch):
    # mode='code': self embedding + mean-aggregate report-neighbor features
    # via adjacency columns.
    cols = A[:, batch].T  # gather [B, report_size]
    deg = jnp.clip(jnp.sum(cols, axis=1, keepdims=True), 1.0, None)
    neigh = (cols @ R_weight) / deg
    self_feat = C_weight[batch]
    return jnp.concatenate([self_feat, neigh], axis=1) @ W


def reference(A, R_weight, C_weight, W, report_batch, code_i_batch, code_j_batch):
    # eval mode: F.dropout(training=False) is identity
    R_r = jax.nn.relu(_agg_report(A, R_weight, C_weight, W, report_batch))
    C_i = jax.nn.relu(_agg_code(A, R_weight, C_weight, W, code_i_batch))
    C_j = jax.nn.relu(_agg_code(A, R_weight, C_weight, W, code_j_batch))
    prediction_i = jnp.sum(R_r * C_i, axis=-1)
    prediction_j = jnp.sum(R_r * C_j, axis=-1)
    return (prediction_i, prediction_j)

if __name__ == "__main__":
    import jax
    _d = setup_inputs()
    print(jax.jit(kernel)(*tuple(_d.values())))

</pallas_src>

<mosaic_0001>
#map = affine_map<(d0, d1) -> (0, 0)>
#map1 = affine_map<(d0, d1) -> (0)>
module attributes {stable_mosaic.version = 14 : i64} {
  func.func @_score_body(%arg0: i32, %arg1: i32, %arg2: memref<10000x128xf32, #tpu.memory_space<hbm>>, %arg3: memref<5000x128xf32, #tpu.memory_space<hbm>>, %arg4: memref<4096xi32, #tpu.memory_space<hbm>>, %arg5: memref<4096xi32, #tpu.memory_space<hbm>>, %arg6: memref<4096xi32, #tpu.memory_space<hbm>>, %arg7: memref<4096xf32, #tpu.memory_space<hbm>>, %arg8: memref<4096xf32, #tpu.memory_space<hbm>>, %arg9: memref<128xi32, #tpu.memory_space<vmem>>, %arg10: memref<128xi32, #tpu.memory_space<vmem>>, %arg11: memref<128xi32, #tpu.memory_space<vmem>>, %arg12: memref<128x128xf32, #tpu.memory_space<vmem>>, %arg13: memref<128x128xf32, #tpu.memory_space<vmem>>, %arg14: memref<128x128xf32, #tpu.memory_space<vmem>>, %arg15: memref<128xf32, #tpu.memory_space<vmem>>, %arg16: memref<128xf32, #tpu.memory_space<vmem>>, %arg17: memref<!tpu.dma_semaphore, #tpu.memory_space<semaphore_mem>>, %arg18: memref<!tpu.dma_semaphore, #tpu.memory_space<semaphore_mem>>, %arg19: memref<!tpu.dma_semaphore, #tpu.memory_space<semaphore_mem>>) attributes {dimension_semantics = [#tpu.dimension_semantics<core_parallel>, #tpu.dimension_semantics<subcore_parallel>], iteration_bounds = array<i64: 2, 16>, scalar_prefetch = 0 : i64, scratch_operands = 11 : i64, tpu.core_type = #tpu.core_type<sc_vector_subcore>, window_params = [{transform_indices = #map}, {transform_indices = #map}, {transform_indices = #map1}, {transform_indices = #map1}, {transform_indices = #map1}, {transform_indices = #map1}, {transform_indices = #map1}]} {
    %mul3A = arith.constant 2 : i32
    %mul3A_0 = arith.muli %arg1, %mul3A : i32
    %add3A = arith.addi %mul3A_0, %arg0 : i32
    %mul3A_1 = arith.constant 128 : i32
    %mul3A_2 = arith.muli %add3A, %mul3A_1 : i32
    "tpu.region"() ({
      %run_scoped3A = tpu.sem_alloc : memref<!tpu.dma_semaphore, #tpu.memory_space<semaphore_mem>>
      %dma_start3A_25 = tpu.memref_slice %arg4[%mul3A_2] : memref<4096xi32, #tpu.memory_space<hbm>> -> memref<128xi32, #tpu.memory_space<hbm>>
      %dma_start3A_26 = tpu.memref_slice %arg4[%mul3A_2] : memref<4096xi32, #tpu.memory_space<hbm>> -> memref<128xi32, #tpu.memory_space<hbm>>
      tpu.enqueue_dma source(%dma_start3A_26 : memref<128xi32, #tpu.memory_space<hbm>>) target(%arg9 : memref<128xi32, #tpu.memory_space<vmem>>) target_semaphore(%run_scoped3A : memref<!tpu.dma_semaphore, #tpu.memory_space<semaphore_mem>>)
      %dma_wait3A_27 = tpu.memref_slice %arg4[%mul3A_2] : memref<4096xi32, #tpu.memory_space<hbm>> -> memref<128xi32, #tpu.memory_space<hbm>>
      %dma_wait3A_28 = tpu.memref_slice %arg4[%mul3A_2] : memref<4096xi32, #tpu.memory_space<hbm>> -> memref<128xi32, #tpu.memory_space<hbm>>
      tpu.wait_dma2 semaphore(%run_scoped3A : memref<!tpu.dma_semaphore, #tpu.memory_space<semaphore_mem>>) src(%dma_wait3A_28 : memref<128xi32, #tpu.memory_space<hbm>>) dst(%arg9 : memref<128xi32, #tpu.memory_space<vmem>>)
      tpu.yield
    }) : () -> ()
    "tpu.region"() ({
      %run_scoped3A = tpu.sem_alloc : memref<!tpu.dma_semaphore, #tpu.memory_space<semaphore_mem>>
      %dma_start3A_25 = tpu.memref_slice %arg5[%mul3A_2] : memref<4096xi32, #tpu.memory_space<hbm>> -> memref<128xi32, #tpu.memory_space<hbm>>
      %dma_start3A_26 = tpu.memref_slice %arg5[%mul3A_2] : memref<4096xi32, #tpu.memory_space<hbm>> -> memref<128xi32, #tpu.memory_space<hbm>>
      tpu.enqueue_dma source(%dma_start3A_26 : memref<128xi32, #tpu.memory_space<hbm>>) target(%arg10 : memref<128xi32, #tpu.memory_space<vmem>>) target_semaphore(%run_scoped3A : memref<!tpu.dma_semaphore, #tpu.memory_space<semaphore_mem>>)
      %dma_wait3A_27 = tpu.memref_slice %arg5[%mul3A_2] : memref<4096xi32, #tpu.memory_space<hbm>> -> memref<128xi32, #tpu.memory_space<hbm>>
      %dma_wait3A_28 = tpu.memref_slice %arg5[%mul3A_2] : memref<4096xi32, #tpu.memory_space<hbm>> -> memref<128xi32, #tpu.memory_space<hbm>>
      tpu.wait_dma2 semaphore(%run_scoped3A : memref<!tpu.dma_semaphore, #tpu.memory_space<semaphore_mem>>) src(%dma_wait3A_28 : memref<128xi32, #tpu.memory_space<hbm>>) dst(%arg10 : memref<128xi32, #tpu.memory_space<vmem>>)
      tpu.yield
    }) : () -> ()
    "tpu.region"() ({
      %run_scoped3A = tpu.sem_alloc : memref<!tpu.dma_semaphore, #tpu.memory_space<semaphore_mem>>
      %dma_start3A_25 = tpu.memref_slice %arg6[%mul3A_2] : memref<4096xi32, #tpu.memory_space<hbm>> -> memref<128xi32, #tpu.memory_space<hbm>>
      %dma_start3A_26 = tpu.memref_slice %arg6[%mul3A_2] : memref<4096xi32, #tpu.memory_space<hbm>> -> memref<128xi32, #tpu.memory_space<hbm>>
      tpu.enqueue_dma source(%dma_start3A_26 : memref<128xi32, #tpu.memory_space<hbm>>) target(%arg11 : memref<128xi32, #tpu.memory_space<vmem>>) target_semaphore(%run_scoped3A : memref<!tpu.dma_semaphore, #tpu.memory_space<semaphore_mem>>)
      %dma_wait3A_27 = tpu.memref_slice %arg6[%mul3A_2] : memref<4096xi32, #tpu.memory_space<hbm>> -> memref<128xi32, #tpu.memory_space<hbm>>
      %dma_wait3A_28 = tpu.memref_slice %arg6[%mul3A_2] : memref<4096xi32, #tpu.memory_space<hbm>> -> memref<128xi32, #tpu.memory_space<hbm>>
      tpu.wait_dma2 semaphore(%run_scoped3A : memref<!tpu.dma_semaphore, #tpu.memory_space<semaphore_mem>>) src(%dma_wait3A_28 : memref<128xi32, #tpu.memory_space<hbm>>) dst(%arg11 : memref<128xi32, #tpu.memory_space<vmem>>)
      tpu.yield
    }) : () -> ()
    %dma_start3A = arith.constant 0 : i32
    %dma_start3A_3 = arith.constant 0 : i32
    %dma_start3A_4 = tpu.memref_slice %arg2[%dma_start3A, %dma_start3A_3] : memref<10000x128xf32, #tpu.memory_space<hbm>> -> memref<10000x128xf32, #tpu.memory_space<hbm>>
    tpu.enqueue_indirect_dma source(%dma_start3A_4 : memref<10000x128xf32, #tpu.memory_space<hbm>>) target(%arg12 : memref<128x128xf32, #tpu.memory_space<vmem>>) offsets(%arg9 : memref<128xi32, #tpu.memory_space<vmem>>) semaphore(%arg17 : memref<!tpu.dma_semaphore, #tpu.memory_space<semaphore_mem>>)
    %dma_start3A_5 = arith.constant 0 : i32
    %dma_start3A_6 = arith.constant 0 : i32
    %dma_start3A_7 = tpu.memref_slice %arg3[%dma_start3A_5, %dma_start3A_6] : memref<5000x128xf32, #tpu.memory_space<hbm>> -> memref<5000x128xf32, #tpu.memory_space<hbm>>
    tpu.enqueue_indirect_dma source(%dma_start3A_7 : memref<5000x128xf32, #tpu.memory_space<hbm>>) target(%arg13 : memref<128x128xf32, #tpu.memory_space<vmem>>) offsets(%arg10 : memref<128xi32, #tpu.memory_space<vmem>>) semaphore(%arg18 : memref<!tpu.dma_semaphore, #tpu.memory_space<semaphore_mem>>)
    %dma_start3A_8 = arith.constant 0 : i32
    %dma_start3A_9 = arith.constant 0 : i32
    %dma_start3A_10 = tpu.memref_slice %arg3[%dma_start3A_8, %dma_start3A_9] : memref<5000x128xf32, #tpu.memory_space<hbm>> -> memref<5000x128xf32, #tpu.memory_space<hbm>>
    tpu.enqueue_indirect_dma source(%dma_start3A_10 : memref<5000x128xf32, #tpu.memory_space<hbm>>) target(%arg14 : memref<128x128xf32, #tpu.memory_space<vmem>>) offsets(%arg11 : memref<128xi32, #tpu.memory_space<vmem>>) semaphore(%arg19 : memref<!tpu.dma_semaphore, #tpu.memory_space<semaphore_mem>>)
    %dma_wait3A = arith.constant 0 : i32
    %dma_wait3A_11 = arith.constant 0 : i32
    %dma_wait3A_12 = tpu.memref_slice %arg2[%dma_wait3A, %dma_wait3A_11] : memref<10000x128xf32, #tpu.memory_space<hbm>> -> memref<10000x128xf32, #tpu.memory_space<hbm>>
    tpu.wait_indirect_dma semaphore(%arg17 : memref<!tpu.dma_semaphore, #tpu.memory_space<semaphore_mem>>) src(%dma_wait3A_12 : memref<10000x128xf32, #tpu.memory_space<hbm>>) dst(%arg12 : memref<128x128xf32, #tpu.memory_space<vmem>>)
    %dma_wait3A_13 = arith.constant 0 : i32
    %dma_wait3A_14 = arith.constant 0 : i32
    %dma_wait3A_15 = tpu.memref_slice %arg3[%dma_wait3A_13, %dma_wait3A_14] : memref<5000x128xf32, #tpu.memory_space<hbm>> -> memref<5000x128xf32, #tpu.memory_space<hbm>>
    tpu.wait_indirect_dma semaphore(%arg18 : memref<!tpu.dma_semaphore, #tpu.memory_space<semaphore_mem>>) src(%dma_wait3A_15 : memref<5000x128xf32, #tpu.memory_space<hbm>>) dst(%arg13 : memref<128x128xf32, #tpu.memory_space<vmem>>)
    %dma_wait3A_16 = arith.constant 0 : i32
    %dma_wait3A_17 = arith.constant 0 : i32
    %dma_wait3A_18 = tpu.memref_slice %arg3[%dma_wait3A_16, %dma_wait3A_17] : memref<5000x128xf32, #tpu.memory_space<hbm>> -> memref<5000x128xf32, #tpu.memory_space<hbm>>
    tpu.wait_indirect_dma semaphore(%arg19 : memref<!tpu.dma_semaphore, #tpu.memory_space<semaphore_mem>>) src(%dma_wait3A_18 : memref<5000x128xf32, #tpu.memory_space<hbm>>) dst(%arg14 : memref<128x128xf32, #tpu.memory_space<vmem>>)
    %iota3A = tpu.iota {dimensions = array<i32: 0>} : vector<16xi32>
    %scan3A = arith.constant 0 : i32
    %scan3A_19 = arith.constant 0 : i32
    %scan3A_20 = arith.constant 8 : i32
    %scan3A_21 = arith.addi %scan3A_19, %scan3A_20 : i32
    %scan3A_22 = arith.constant 1 : i32
    %scan3A_23 = scf.for %scan3A_25 = %scan3A_19 to %scan3A_21 step %scan3A_22 iter_args(%scan3A_26 = %scan3A) -> (i32)  : i32 {
      %broadcast_in_dim3A = arith.constant 0.000000e+00 : f32
      %broadcast_in_dim3A_27 = vector.broadcast %broadcast_in_dim3A : f32 to vector<16xf32>
      %scan3A_28 = arith.constant 0 : i32
      %scan3A_29 = arith.constant 16 : i32
      %scan3A_30 = arith.addi %scan3A_28, %scan3A_29 : i32
      %scan3A_31 = arith.constant 1 : i32
      %scan3A_32:2 = scf.for %scan3A_42 = %scan3A_28 to %scan3A_30 step %scan3A_31 iter_args(%scan3A_43 = %broadcast_in_dim3A_27, %scan3A_44 = %broadcast_in_dim3A_27) -> (vector<16xf32>, vector<16xf32>)  : i32 {
        %mul3A_45 = arith.constant 16 : i32
        %mul3A_46 = arith.muli %scan3A_25, %mul3A_45 : i32
        %add3A_47 = arith.addi %mul3A_46, %scan3A_42 : i32
        %broadcast_in_dim3A_48 = arith.constant 0.000000e+00 : f32
        %broadcast_in_dim3A_49 = vector.broadcast %broadcast_in_dim3A_48 : f32 to vector<16xf32>
        %broadcast_in_dim3A_50 = arith.constant 0.000000e+00 : f32
        %broadcast_in_dim3A_51 = vector.broadcast %broadcast_in_dim3A_50 : f32 to vector<16xf32>
        %get3A = arith.index_cast %add3A_47 : i32 to index
        %get3A_52 = arith.constant 0 : index
        %get3A_53 = tpu.vector_load %arg12[%get3A, %get3A_52] {strides = array<i32>} : memref<128x128xf32, #tpu.memory_space<vmem>>, vector<16xf32>,
        %get3A_54 = arith.index_cast %add3A_47 : i32 to index
        %get3A_55 = arith.constant 0 : index
        %get3A_56 = tpu.vector_load %arg13[%get3A_54, %get3A_55] {strides = array<i32>} : memref<128x128xf32, #tpu.memory_space<vmem>>, vector<16xf32>,
        %mul3A_57 = arith.mulf %get3A_53, %get3A_56 : vector<16xf32>
        %add3A_58 = arith.addf %broadcast_in_dim3A_49, %mul3A_57 : vector<16xf32>
        %get3A_59 = arith.index_cast %add3A_47 : i32 to index
        %get3A_60 = arith.constant 0 : index
        %get3A_61 = tpu.vector_load %arg14[%get3A_59, %get3A_60] {strides = array<i32>} : memref<128x128xf32, #tpu.memory_space<vmem>>, vector<16xf32>,
        %mul3A_62 = arith.mulf %get3A_53, %get3A_61 : vector<16xf32>
        %add3A_63 = arith.addf %broadcast_in_dim3A_51, %mul3A_62 : vector<16xf32>
        %get3A_64 = arith.index_cast %add3A_47 : i32 to index
        %get3A_65 = arith.constant 16 : index
        %get3A_66 = tpu.vector_load %arg12[%get3A_64, %get3A_65] {strides = array<i32>} : memref<128x128xf32, #tpu.memory_space<vmem>>, vector<16xf32>,
        %get3A_67 = arith.index_cast %add3A_47 : i32 to index
        %get3A_68 = arith.constant 16 : index
        %get3A_69 = tpu.vector_load %arg13[%get3A_67, %get3A_68] {strides = array<i32>} : memref<128x128xf32, #tpu.memory_space<vmem>>, vector<16xf32>,
        %mul3A_70 = arith.mulf %get3A_66, %get3A_69 : vector<16xf32>
        %add3A_71 = arith.addf %add3A_58, %mul3A_70 : vector<16xf32>
        %get3A_72 = arith.index_cast %add3A_47 : i32 to index
        %get3A_73 = arith.constant 16 : index
        %get3A_74 = tpu.vector_load %arg14[%get3A_72, %get3A_73] {strides = array<i32>} : memref<128x128xf32, #tpu.memory_space<vmem>>, vector<16xf32>,
        %mul3A_75 = arith.mulf %get3A_66, %get3A_74 : vector<16xf32>
        %add3A_76 = arith.addf %add3A_63, %mul3A_75 : vector<16xf32>
        %get3A_77 = arith.index_cast %add3A_47 : i32 to index
        %get3A_78 = arith.constant 32 : index
        %get3A_79 = tpu.vector_load %arg12[%get3A_77, %get3A_78] {strides = array<i32>} : memref<128x128xf32, #tpu.memory_space<vmem>>, vector<16xf32>,
        %get3A_80 = arith.index_cast %add3A_47 : i32 to index
        %get3A_81 = arith.constant 32 : index
        %get3A_82 = tpu.vector_load %arg13[%get3A_80, %get3A_81] {strides = array<i32>} : memref<128x128xf32, #tpu.memory_space<vmem>>, vector<16xf32>,
        %mul3A_83 = arith.mulf %get3A_79, %get3A_82 : vector<16xf32>
        %add3A_84 = arith.addf %add3A_71, %mul3A_83 : vector<16xf32>
        %get3A_85 = arith.index_cast %add3A_47 : i32 to index
        %get3A_86 = arith.constant 32 : index
        %get3A_87 = tpu.vector_load %arg14[%get3A_85, %get3A_86] {strides = array<i32>} : memref<128x128xf32, #tpu.memory_space<vmem>>, vector<16xf32>,
        %mul3A_88 = arith.mulf %get3A_79, %get3A_87 : vector<16xf32>
        %add3A_89 = arith.addf %add3A_76, %mul3A_88 : vector<16xf32>
        %get3A_90 = arith.index_cast %add3A_47 : i32 to index
        %get3A_91 = arith.constant 48 : index
        %get3A_92 = tpu.vector_load %arg12[%get3A_90, %get3A_91] {strides = array<i32>} : memref<128x128xf32, #tpu.memory_space<vmem>>, vector<16xf32>,
        %get3A_93 = arith.index_cast %add3A_47 : i32 to index
        %get3A_94 = arith.constant 48 : index
        %get3A_95 = tpu.vector_load %arg13[%get3A_93, %get3A_94] {strides = array<i32>} : memref<128x128xf32, #tpu.memory_space<vmem>>, vector<16xf32>,
        %mul3A_96 = arith.mulf %get3A_92, %get3A_95 : vector<16xf32>
        %add3A_97 = arith.addf %add3A_84, %mul3A_96 : vector<16xf32>
        %get3A_98 = arith.index_cast %add3A_47 : i32 to index
        %get3A_99 = arith.constant 48 : index
        %get3A_100 = tpu.vector_load %arg14[%get3A_98, %get3A_99] {strides = array<i32>} : memref<128x128xf32, #tpu.memory_space<vmem>>, vector<16xf32>,
        %mul3A_101 = arith.mulf %get3A_92, %get3A_100 : vector<16xf32>
        %add3A_102 = arith.addf %add3A_89, %mul3A_101 : vector<16xf32>
        %get3A_103 = arith.index_cast %add3A_47 : i32 to index
        %get3A_104 = arith.constant 64 : index
        %get3A_105 = tpu.vector_load %arg12[%get3A_103, %get3A_104] {strides = array<i32>} : memref<128x128xf32, #tpu.memory_space<vmem>>, vector<16xf32>,
        %get3A_106 = arith.index_cast %add3A_47 : i32 to index
        %get3A_107 = arith.constant 64 : index
        %get3A_108 = tpu.vector_load %arg13[%get3A_106, %get3A_107] {strides = array<i32>} : memref<128x128xf32, #tpu.memory_space<vmem>>, vector<16xf32>,
        %mul3A_109 = arith.mulf %get3A_105, %get3A_108 : vector<16xf32>
        %add3A_110 = arith.addf %add3A_97, %mul3A_109 : vector<16xf32>
        %get3A_111 = arith.index_cast %add3A_47 : i32 to index
        %get3A_112 = arith.constant 64 : index
        %get3A_113 = tpu.vector_load %arg14[%get3A_111, %get3A_112] {strides = array<i32>} : memref<128x128xf32, #tpu.memory_space<vmem>>, vector<16xf32>,
        %mul3A_114 = arith.mulf %get3A_105, %get3A_113 : vector<16xf32>
        %add3A_115 = arith.addf %add3A_102, %mul3A_114 : vector<16xf32>
        %get3A_116 = arith.index_cast %add3A_47 : i32 to index
        %get3A_117 = arith.constant 80 : index
        %get3A_118 = tpu.vector_load %arg12[%get3A_116, %get3A_117] {strides = array<i32>} : memref<128x128xf32, #tpu.memory_space<vmem>>, vector<16xf32>,
        %get3A_119 = arith.index_cast %add3A_47 : i32 to index
        %get3A_120 = arith.constant 80 : index
        %get3A_121 = tpu.vector_load %arg13[%get3A_119, %get3A_120] {strides = array<i32>} : memref<128x128xf32, #tpu.memory_space<vmem>>, vector<16xf32>,
        %mul3A_122 = arith.mulf %get3A_118, %get3A_121 : vector<16xf32>
        %add3A_123 = arith.addf %add3A_110, %mul3A_122 : vector<16xf32>
        %get3A_124 = arith.index_cast %add3A_47 : i32 to index
        %get3A_125 = arith.constant 80 : index
        %get3A_126 = tpu.vector_load %arg14[%get3A_124, %get3A_125] {strides = array<i32>} : memref<128x128xf32, #tpu.memory_space<vmem>>, vector<16xf32>,
        %mul3A_127 = arith.mulf %get3A_118, %get3A_126 : vector<16xf32>
        %add3A_128 = arith.addf %add3A_115, %mul3A_127 : vector<16xf32>
        %get3A_129 = arith.index_cast %add3A_47 : i32 to index
        %get3A_130 = arith.constant 96 : index
        %get3A_131 = tpu.vector_load %arg12[%get3A_129, %get3A_130] {strides = array<i32>} : memref<128x128xf32, #tpu.memory_space<vmem>>, vector<16xf32>,
        %get3A_132 = arith.index_cast %add3A_47 : i32 to index
        %get3A_133 = arith.constant 96 : index
        %get3A_134 = tpu.vector_load %arg13[%get3A_132, %get3A_133] {strides = array<i32>} : memref<128x128xf32, #tpu.memory_space<vmem>>, vector<16xf32>,
        %mul3A_135 = arith.mulf %get3A_131, %get3A_134 : vector<16xf32>
        %add3A_136 = arith.addf %add3A_123, %mul3A_135 : vector<16xf32>
        %get3A_137 = arith.index_cast %add3A_47 : i32 to index
        %get3A_138 = arith.constant 96 : index
        %get3A_139 = tpu.vector_load %arg14[%get3A_137, %get3A_138] {strides = array<i32>} : memref<128x128xf32, #tpu.memory_space<vmem>>, vector<16xf32>,
        %mul3A_140 = arith.mulf %get3A_131, %get3A_139 : vector<16xf32>
        %add3A_141 = arith.addf %add3A_128, %mul3A_140 : vector<16xf32>
        %get3A_142 = arith.index_cast %add3A_47 : i32 to index
        %get3A_143 = arith.constant 112 : index
        %get3A_144 = tpu.vector_load %arg12[%get3A_142, %get3A_143] {strides = array<i32>} : memref<128x128xf32, #tpu.memory_space<vmem>>, vector<16xf32>,
        %get3A_145 = arith.index_cast %add3A_47 : i32 to index
        %get3A_146 = arith.constant 112 : index
        %get3A_147 = tpu.vector_load %arg13[%get3A_145, %get3A_146] {strides = array<i32>} : memref<128x128xf32, #tpu.memory_space<vmem>>, vector<16xf32>,
        %mul3A_148 = arith.mulf %get3A_144, %get3A_147 : vector<16xf32>
        %add3A_149 = arith.addf %add3A_136, %mul3A_148 : vector<16xf32>
        %get3A_150 = arith.index_cast %add3A_47 : i32 to index
        %get3A_151 = arith.constant 112 : index
        %get3A_152 = tpu.vector_load %arg14[%get3A_150, %get3A_151] {strides = array<i32>} : memref<128x128xf32, #tpu.memory_space<vmem>>, vector<16xf32>,
        %mul3A_153 = arith.mulf %get3A_144, %get3A_152 : vector<16xf32>
        %add3A_154 = arith.addf %add3A_141, %mul3A_153 : vector<16xf32>
        %eq3A = vector.broadcast %scan3A_42 : i32 to vector<16xi32>
        %eq3A_155 = arith.cmpi eq, %iota3A, %eq3A : vector<16xi32>
        %reduce_sum3A = arith.constant true
        %reduce_sum3A_156 = vector.broadcast %reduce_sum3A : i1 to vector<16xi1>
        %reduce_sum3A_157 = tpu.scan <sum>, %add3A_149 masked %reduce_sum3A_156 : vector<16xf32>, vector<16xi1> -> vector<16xf32>
        %reduce_sum3A_158 = vector.extract %reduce_sum3A_157[15] : f32 from vector<16xf32>
        %broadcast_in_dim3A_159 = vector.broadcast %reduce_sum3A_158 : f32 to vector<16xf32>
        %select_n3A = arith.select %eq3A_155, %broadcast_in_dim3A_159, %scan3A_43 : vector<16xi1>, vector<16xf32>
        %eq3A_160 = vector.broadcast %scan3A_42 : i32 to vector<16xi32>
        %eq3A_161 = arith.cmpi eq, %iota3A, %eq3A_160 : vector<16xi32>
        %reduce_sum3A_162 = arith.constant true
        %reduce_sum3A_163 = vector.broadcast %reduce_sum3A_162 : i1 to vector<16xi1>
        %reduce_sum3A_164 = tpu.scan <sum>, %add3A_154 masked %reduce_sum3A_163 : vector<16xf32>, vector<16xi1> -> vector<16xf32>
        %reduce_sum3A_165 = vector.extract %reduce_sum3A_164[15] : f32 from vector<16xf32>
        %broadcast_in_dim3A_166 = vector.broadcast %reduce_sum3A_165 : f32 to vector<16xf32>
        %select_n3A_167 = arith.select %eq3A_161, %broadcast_in_dim3A_166, %scan3A_44 : vector<16xi1>, vector<16xf32>
        scf.yield %select_n3A, %select_n3A_167 : vector<16xf32>, vector<16xf32>
      }
      %scan3A_33 = arith.constant 16 : i32
      %mul3A_34 = arith.constant 16 : i32
      %mul3A_35 = arith.muli %scan3A_25, %mul3A_34 : i32
      %swap3A = arith.index_cast %mul3A_35 : i32 to index
      %swap3A_36 = tpu.vector_load %arg15[%swap3A] {strides = array<i32>} : memref<128xf32, #tpu.memory_space<vmem>>, vector<16xf32>,
      tpu.vector_store %arg15[%swap3A], %scan3A_32#0 {strides = array<i32>} : memref<128xf32, #tpu.memory_space<vmem>>, vector<16xf32>,
      %mul3A_37 = arith.constant 16 : i32
      %mul3A_38 = arith.muli %scan3A_25, %mul3A_37 : i32
      %swap3A_39 = arith.index_cast %mul3A_38 : i32 to index
      %swap3A_40 = tpu.vector_load %arg16[%swap3A_39] {strides = array<i32>} : memref<128xf32, #tpu.memory_space<vmem>>, vector<16xf32>,
      tpu.vector_store %arg16[%swap3A_39], %scan3A_32#1 {strides = array<i32>} : memref<128xf32, #tpu.memory_space<vmem>>, vector<16xf32>,
      %scan3A_41 = arith.constant 0 : i32
      scf.yield %scan3A_41 : i32
    }
    %scan3A_24 = arith.constant 8 : i32
    "tpu.region"() ({
      %run_scoped3A = tpu.sem_alloc : memref<!tpu.dma_semaphore, #tpu.memory_space<semaphore_mem>>
      %dma_start3A_25 = tpu.memref_slice %arg7[%mul3A_2] : memref<4096xf32, #tpu.memory_space<hbm>> -> memref<128xf32, #tpu.memory_space<hbm>>
      %dma_start3A_26 = tpu.memref_slice %arg7[%mul3A_2] : memref<4096xf32, #tpu.memory_space<hbm>> -> memref<128xf32, #tpu.memory_space<hbm>>
      tpu.enqueue_dma source(%arg15 : memref<128xf32, #tpu.memory_space<vmem>>) target(%dma_start3A_26 : memref<128xf32, #tpu.memory_space<hbm>>) target_semaphore(%run_scoped3A : memref<!tpu.dma_semaphore, #tpu.memory_space<semaphore_mem>>)
      %dma_wait3A_27 = tpu.memref_slice %arg7[%mul3A_2] : memref<4096xf32, #tpu.memory_space<hbm>> -> memref<128xf32, #tpu.memory_space<hbm>>
      %dma_wait3A_28 = tpu.memref_slice %arg7[%mul3A_2] : memref<4096xf32, #tpu.memory_space<hbm>> -> memref<128xf32, #tpu.memory_space<hbm>>
      tpu.wait_dma2 semaphore(%run_scoped3A : memref<!tpu.dma_semaphore, #tpu.memory_space<semaphore_mem>>) src(%arg15 : memref<128xf32, #tpu.memory_space<vmem>>) dst(%dma_wait3A_28 : memref<128xf32, #tpu.memory_space<hbm>>)
      tpu.yield
    }) : () -> ()
    "tpu.region"() ({
      %run_scoped3A = tpu.sem_alloc : memref<!tpu.dma_semaphore, #tpu.memory_space<semaphore_mem>>
      %dma_start3A_25 = tpu.memref_slice %arg8[%mul3A_2] : memref<4096xf32, #tpu.memory_space<hbm>> -> memref<128xf32, #tpu.memory_space<hbm>>
      %dma_start3A_26 = tpu.memref_slice %arg8[%mul3A_2] : memref<4096xf32, #tpu.memory_space<hbm>> -> memref<128xf32, #tpu.memory_space<hbm>>
      tpu.enqueue_dma source(%arg16 : memref<128xf32, #tpu.memory_space<vmem>>) target(%dma_start3A_26 : memref<128xf32, #tpu.memory_space<hbm>>) target_semaphore(%run_scoped3A : memref<!tpu.dma_semaphore, #tpu.memory_space<semaphore_mem>>)
      %dma_wait3A_27 = tpu.memref_slice %arg8[%mul3A_2] : memref<4096xf32, #tpu.memory_space<hbm>> -> memref<128xf32, #tpu.memory_space<hbm>>
      %dma_wait3A_28 = tpu.memref_slice %arg8[%mul3A_2] : memref<4096xf32, #tpu.memory_space<hbm>> -> memref<128xf32, #tpu.memory_space<hbm>>
      tpu.wait_dma2 semaphore(%run_scoped3A : memref<!tpu.dma_semaphore, #tpu.memory_space<semaphore_mem>>) src(%arg16 : memref<128xf32, #tpu.memory_space<vmem>>) dst(%dma_wait3A_28 : memref<128xf32, #tpu.memory_space<hbm>>)
      tpu.yield
    }) : () -> ()
    return
  }
}

module attributes {stable_mosaic.version = 14 : i64} {
  func.func @_embed_body(%arg0: i32, %arg1: memref<200x10000xf32, #tpu.memory_space<vmem>>, %arg2: memref<10000x128xf32, #tpu.memory_space<vmem>>, %arg3: memref<200x128xf32, #tpu.memory_space<vmem>>, %arg4: memref<256x128xf32, #tpu.memory_space<vmem>>, %arg5: memref<10000x128xf32, #tpu.memory_space<vmem>>, %arg6: memref<200x128xf32, #tpu.memory_space<vmem>>, %arg7: memref<128x10000xf32, #tpu.memory_space<vmem>>, %arg8: memref<1x10000xf32, #tpu.memory_space<vmem>>) attributes {dimension_semantics = [#tpu.dimension_semantics<arbitrary>], iteration_bounds = array<i64: 25>, scalar_prefetch = 0 : i64, scratch_operands = 2 : i64, tpu.core_type = #tpu.core_type<tc>, window_params = [{transform_indices = @transform_0, window_bounds = array<i64: 200, 10000>}, {pipeline_mode = #tpu.pipeline_mode<synchronous>, transform_indices = @transform_1, window_bounds = array<i64: 10000, 128>}, {transform_indices = @transform_2, window_bounds = array<i64: 200, 128>}, {pipeline_mode = #tpu.pipeline_mode<synchronous>, transform_indices = @transform_3, window_bounds = array<i64: 256, 128>}, {pipeline_mode = #tpu.pipeline_mode<synchronous>, transform_indices = @transform_4, window_bounds = array<i64: 10000, 128>}, {transform_indices = @transform_5, window_bounds = array<i64: 200, 128>}]} {
    %get3A = arith.constant 0 : index
    %get3A_0 = arith.constant 0 : index
    %get3A_1 = vector.load %arg4[%get3A, %get3A_0] : memref<256x128xf32, #tpu.memory_space<vmem>>, vector<128x128xf32>
    %get3A_2 = arith.constant 128 : index
    %get3A_3 = arith.constant 0 : index
    %get3A_4 = vector.load %arg4[%get3A_2, %get3A_3] : memref<256x128xf32, #tpu.memory_space<vmem>>, vector<128x128xf32>
    %get3A_5 = arith.constant 0 : index
    %get3A_6 = arith.constant 0 : index
    %get3A_7 = vector.load %arg1[%get3A_5, %get3A_6] : memref<200x10000xf32, #tpu.memory_space<vmem>>, vector<200x10000xf32>
    %convert_element_type3A = arith.truncf %get3A_7 : vector<200x10000xf32> to vector<200x10000xbf16>
    %get3A_8 = arith.constant 0 : index
    %get3A_9 = arith.constant 0 : index
    %get3A_10 = vector.load %arg2[%get3A_8, %get3A_9] : memref<10000x128xf32, #tpu.memory_space<vmem>>, vector<10000x128xf32>
    %convert_element_type3A_11 = arith.truncf %get3A_10 : vector<10000x128xf32> to vector<10000x128xbf16>
    %get3A_12 = arith.constant 0 : index
    %get3A_13 = arith.constant 0 : index
    %get3A_14 = vector.load %arg3[%get3A_12, %get3A_13] : memref<200x128xf32, #tpu.memory_space<vmem>>, vector<200x128xf32>
    %convert_element_type3A_15 = arith.truncf %get3A_14 : vector<200x128xf32> to vector<200x128xbf16>
    %reduce_sum3A = arith.constant dense<0.000000e+00> : vector<200xf32>
    %reduce_sum3A_16 = vector.multi_reduction <add>, %get3A_7, %reduce_sum3A [1] : vector<200x10000xf32> to vector<200xf32>
    %broadcast_in_dim3A = vector.shape_cast %reduce_sum3A_16 : vector<200xf32> to vector<200x1xf32>
    %max3A = arith.constant 1.000000e+00 : f32
    %max3A_17 = vector.broadcast %max3A : f32 to vector<200x1xf32>
    %max3A_18 = arith.maximumf %broadcast_in_dim3A, %max3A_17 : vector<200x1xf32>
    %dot_general3A = arith.constant dense<0.000000e+00> : vector<200x128xf32>
    %dot_general3A_19 = tpu.matmul %convert_element_type3A, %convert_element_type3A_11, %dot_general3A {dimension_numbers = #tpu.dot_dimension_numbers<[1], [0], [0], [1], [0, 0, 1, 1], [], []>, transpose_lhs_hint = false} : vector<200x10000xbf16>, vector<10000x128xbf16>, vector<200x128xf32> -> vector<200x128xf32>
    %div3A = vector.broadcast %max3A_18 : vector<200x1xf32> to vector<200x128xf32>
    %div3A_20 = arith.divf %dot_general3A_19, %div3A : vector<200x128xf32>
    %get3A_21 = arith.constant 0 : index
    %get3A_22 = arith.constant 0 : index
    %get3A_23 = vector.load %arg3[%get3A_21, %get3A_22] : memref<200x128xf32, #tpu.memory_space<vmem>>, vector<200x128xf32>
    %concatenate3A = tpu.concatenate %get3A_23, %div3A_20 in 1 : vector<200x128xf32>, vector<200x128xf32> -> vector<200x256xf32>
    %get3A_24 = arith.constant 0 : index
    %get3A_25 = arith.constant 0 : index
    %get3A_26 = vector.load %arg4[%get3A_24, %get3A_25] : memref<256x128xf32, #tpu.memory_space<vmem>>, vector<256x128xf32>
    %dot_general3A_27 = arith.constant dense<0.000000e+00> : vector<200x128xf32>
    %dot_general3A_28 = tpu.matmul %concatenate3A, %get3A_26, %dot_general3A_27 {dimension_numbers = #tpu.dot_dimension_numbers<[1], [0], [0], [1], [0, 0, 1, 1], [], []>, transpose_lhs_hint = false} : vector<200x256xf32>, vector<256x128xf32>, vector<200x128xf32> -> vector<200x128xf32>
    %max3A_29 = arith.constant 0.000000e+00 : f32
    %max3A_30 = vector.broadcast %max3A_29 : f32 to vector<200x128xf32>
    %max3A_31 = arith.maximumf %dot_general3A_28, %max3A_30 : vector<200x128xf32>
    %swap3A = arith.constant 0 : index
    %swap3A_32 = arith.constant 0 : index
    %swap3A_33 = vector.load %arg6[%swap3A, %swap3A_32] : memref<200x128xf32, #tpu.memory_space<vmem>>, vector<200x128xf32>
    tpu.vector_store %arg6[%swap3A, %swap3A_32], %max3A_31 {strides = array<i32>} : memref<200x128xf32, #tpu.memory_space<vmem>>, vector<200x128xf32>,
    %dot_general3A_34 = arith.constant dense<0.000000e+00> : vector<128x10000xf32>
    %dot_general3A_35 = tpu.matmul %convert_element_type3A_15, %convert_element_type3A, %dot_general3A_34 {dimension_numbers = #tpu.dot_dimension_numbers<[0], [0], [1], [1], [0, 1, 1, 1], [], []>, transpose_lhs_hint = false} : vector<200x128xbf16>, vector<200x10000xbf16>, vector<128x10000xf32> -> vector<128x10000xf32>
    %reduce_sum3A_36 = arith.constant dense<0.000000e+00> : vector<10000xf32>
    %reduce_sum3A_37 = vector.multi_reduction <add>, %get3A_7, %reduce_sum3A_36 [0] : vector<200x10000xf32> to vector<10000xf32>
    %broadcast_in_dim3A_38 = vector.shape_cast %reduce_sum3A_37 : vector<10000xf32> to vector<1x10000xf32>
    %eq3A = arith.constant 0 : i32
    %eq3A_39 = arith.cmpi eq, %arg0, %eq3A : i32
    %convert_element_type3A_40 = arith.extui %eq3A_39 : i1 to i32
    %cond3A = arith.constant 0 : i32
    %cond3A_41 = arith.cmpi ne, %convert_element_type3A_40, %cond3A : i32
    scf.if %cond3A_41 {
      %swap3A_51 = arith.constant 0 : index
      %swap3A_52 = arith.constant 0 : index
      %swap3A_53 = vector.load %arg7[%swap3A_51, %swap3A_52] : memref<128x10000xf32, #tpu.memory_space<vmem>>, vector<128x10000xf32>
      tpu.vector_store %arg7[%swap3A_51, %swap3A_52], %dot_general3A_35 {strides = array<i32>} : memref<128x10000xf32, #tpu.memory_space<vmem>>, vector<128x10000xf32>,
      %swap3A_54 = arith.constant 0 : index
      %swap3A_55 = arith.constant 0 : index
      %swap3A_56 = vector.load %arg8[%swap3A_54, %swap3A_55] : memref<1x10000xf32, #tpu.memory_space<vmem>>, vector<1x10000xf32>
      tpu.vector_store %arg8[%swap3A_54, %swap3A_55], %broadcast_in_dim3A_38 {strides = array<i32>} : memref<1x10000xf32, #tpu.memory_space<vmem>>, vector<1x10000xf32>,
    } else {
    }
    %gt3A = arith.constant 0 : i32
    %gt3A_42 = arith.cmpi sgt, %arg0, %gt3A : i32
    %convert_element_type3A_43 = arith.extui %gt3A_42 : i1 to i32
    %cond3A_44 = arith.constant 0 : i32
    %cond3A_45 = arith.cmpi ne, %convert_element_type3A_43, %cond3A_44 : i32
    scf.if %cond3A_45 {
      %get3A_51 = arith.constant 0 : index
      %get3A_52 = arith.constant 0 : index
      %get3A_53 = vector.load %arg7[%get3A_51, %get3A_52] : memref<128x10000xf32, #tpu.memory_space<vmem>>, vector<128x10000xf32>
      %add3A = arith.addf %get3A_53, %dot_general3A_35 : vector<128x10000xf32>
      %swap3A_54 = arith.constant 0 : index
      %swap3A_55 = arith.constant 0 : index
      %swap3A_56 = vector.load %arg7[%swap3A_54, %swap3A_55] : memref<128x10000xf32, #tpu.memory_space<vmem>>, vector<128x10000xf32>
      tpu.vector_store %arg7[%swap3A_54, %swap3A_55], %add3A {strides = array<i32>} : memref<128x10000xf32, #tpu.memory_space<vmem>>, vector<128x10000xf32>,
      %get3A_57 = arith.constant 0 : index
      %get3A_58 = arith.constant 0 : index
      %get3A_59 = vector.load %arg8[%get3A_57, %get3A_58] : memref<1x10000xf32, #tpu.memory_space<vmem>>, vector<1x10000xf32>
      %add3A_60 = arith.addf %get3A_59, %broadcast_in_dim3A_38 : vector<1x10000xf32>
      %swap3A_61 = arith.constant 0 : index
      %swap3A_62 = arith.constant 0 : index
      %swap3A_63 = vector.load %arg8[%swap3A_61, %swap3A_62] : memref<1x10000xf32, #tpu.memory_space<vmem>>, vector<1x10000xf32>
      tpu.vector_store %arg8[%swap3A_61, %swap3A_62], %add3A_60 {strides = array<i32>} : memref<1x10000xf32, #tpu.memory_space<vmem>>, vector<1x10000xf32>,
    } else {
    }
    %eq3A_46 = arith.constant 24 : i32
    %eq3A_47 = arith.cmpi eq, %arg0, %eq3A_46 : i32
    %convert_element_type3A_48 = arith.extui %eq3A_47 : i1 to i32
    %cond3A_49 = arith.constant 0 : i32
    %cond3A_50 = arith.cmpi ne, %convert_element_type3A_48, %cond3A_49 : i32
    scf.if %cond3A_50 {
      %get3A_51 = arith.constant 0 : index
      %get3A_52 = arith.constant 0 : index
      %get3A_53 = vector.load %arg8[%get3A_51, %get3A_52] : memref<1x10000xf32, #tpu.memory_space<vmem>>, vector<1x10000xf32>
      %max3A_54 = arith.constant 1.000000e+00 : f32
      %max3A_55 = vector.broadcast %max3A_54 : f32 to vector<1x10000xf32>
      %max3A_56 = arith.maximumf %get3A_53, %max3A_55 : vector<1x10000xf32>
      %div3A_57 = arith.constant 1.000000e+00 : f32
      %div3A_58 = vector.broadcast %div3A_57 : f32 to vector<1x10000xf32>
      %div3A_59 = arith.divf %div3A_58, %max3A_56 : vector<1x10000xf32>
      %broadcast_in_dim3A_60 = arith.constant 1.000000e+00 : f32
      %broadcast_in_dim3A_61 = vector.broadcast %broadcast_in_dim3A_60 : f32 to vector<1x128xf32>
      %dot_general3A_62 = arith.constant dense<0.000000e+00> : vector<10000x128xf32>
      %dot_general3A_63 = tpu.matmul %div3A_59, %broadcast_in_dim3A_61, %dot_general3A_62 {dimension_numbers = #tpu.dot_dimension_numbers<[0], [0], [1], [1], [0, 1, 1, 1], [], []>, transpose_lhs_hint = false} : vector<1x10000xf32>, vector<1x128xf32>, vector<10000x128xf32> -> vector<10000x128xf32>
      %get3A_64 = arith.constant 0 : index
      %get3A_65 = arith.constant 0 : index
      %get3A_66 = vector.load %arg2[%get3A_64, %get3A_65] : memref<10000x128xf32, #tpu.memory_space<vmem>>, vector<10000x128xf32>
      %dot_general3A_67 = arith.constant dense<0.000000e+00> : vector<10000x128xf32>
      %dot_general3A_68 = tpu.matmul %get3A_66, %get3A_1, %dot_general3A_67 {dimension_numbers = #tpu.dot_dimension_numbers<[1], [0], [0], [1], [0, 0, 1, 1], [], []>, transpose_lhs_hint = false} : vector<10000x128xf32>, vector<128x128xf32>, vector<10000x128xf32> -> vector<10000x128xf32>
      %get3A_69 = arith.constant 0 : index
      %get3A_70 = arith.constant 0 : index
      %get3A_71 = vector.load %arg7[%get3A_69, %get3A_70] : memref<128x10000xf32, #tpu.memory_space<vmem>>, vector<128x10000xf32>
      %dot_general3A_72 = arith.constant dense<0.000000e+00> : vector<10000x128xf32>
      %dot_general3A_73 = tpu.matmul %get3A_71, %get3A_4, %dot_general3A_72 {dimension_numbers = #tpu.dot_dimension_numbers<[0], [0], [1], [1], [0, 1, 1, 1], [], []>, transpose_lhs_hint = false} : vector<128x10000xf32>, vector<128x128xf32>, vector<10000x128xf32> -> vector<10000x128xf32>
      %mul3A = arith.mulf %dot_general3A_73, %dot_general3A_63 : vector<10000x128xf32>
      %add3A = arith.addf %dot_general3A_68, %mul3A : vector<10000x128xf32>
      %max3A_74 = arith.constant 0.000000e+00 : f32
      %max3A_75 = vector.broadcast %max3A_74 : f32 to vector<10000x128xf32>
      %max3A_76 = arith.maximumf %add3A, %max3A_75 : vector<10000x128xf32>
      %swap3A_77 = arith.constant 0 : index
      %swap3A_78 = arith.constant 0 : index
      %swap3A_79 = vector.load %arg5[%swap3A_77, %swap3A_78] : memref<10000x128xf32, #tpu.memory_space<vmem>>, vector<10000x128xf32>
      tpu.vector_store %arg5[%swap3A_77, %swap3A_78], %max3A_76 {strides = array<i32>} : memref<10000x128xf32, #tpu.memory_space<vmem>>, vector<10000x128xf32>,
    } else {
    }
    return
  }
  func.func @transform_0(%arg0: i32) -> (i32, i32) {
    %c0_i32 = arith.constant 0 : i32
    %c0_i32_0 = arith.constant 0 : i32
    return %arg0, %c0_i32 : i32, i32
  }
  func.func @transform_1(%arg0: i32) -> (i32, i32) {
    %c0_i32 = arith.constant 0 : i32
    %c0_i32_0 = arith.constant 0 : i32
    %c0_i32_1 = arith.constant 0 : i32
    return %c0_i32, %c0_i32_0 : i32, i32
  }
  func.func @transform_2(%arg0: i32) -> (i32, i32) {
    %c0_i32 = arith.constant 0 : i32
    %c0_i32_0 = arith.constant 0 : i32
    return %arg0, %c0_i32 : i32, i32
  }
  func.func @transform_3(%arg0: i32) -> (i32, i32) {
    %c0_i32 = arith.constant 0 : i32
    %c0_i32_0 = arith.constant 0 : i32
    %c0_i32_1 = arith.constant 0 : i32
    return %c0_i32, %c0_i32_0 : i32, i32
  }
  func.func @transform_4(%arg0: i32) -> (i32, i32) {
    %c0_i32 = arith.constant 0 : i32
    %c0_i32_0 = arith.constant 0 : i32
    %c0_i32_1 = arith.constant 0 : i32
    return %c0_i32, %c0_i32_0 : i32, i32
  }
  func.func @transform_5(%arg0: i32) -> (i32, i32) {
    %c0_i32 = arith.constant 0 : i32
    %c0_i32_0 = arith.constant 0 : i32
    return %arg0, %c0_i32 : i32, i32
  }
}

</mosaic_0001>

<sc_bundles>
// kernel: kernel.4.cloned.1.call-start
scs
__scs_entry_jumppad:
0x0: {  	(pc) =	sbr.rel $0x88, $3  }
0x1: {  	(tag) =	ssettag $0x0;
	lr =	simm.s32 $0x1  }
0x2: {  	[smem:$0x3F9A] =	sst lr;
	_ =	strace $0xD0000000  }
0x3: {  	_ = 	snop  }
0x4: {  	_ = 	snop  }
0x5: {  	_ = 	snop  }
0x6: {  	_ = 	snop  }
0x7: {  	_ = 	snop  }
__scs_overlays_trampoline_lowered:
0x8: {  	[smem:$0x3FA9] =	sst s0  }
0x9: {  	[smem:$0x3FAA] =	sst s1  }
0xa: {  	[smem:$0x3FAB] =	sst s2  }
0xb: {  	[smem:$0x3FAC] =	sst s3  }
0xc: {  	[smem:$0x3FAD] =	sst s4  }
0xd: {  	[smem:$0x3FAE] =	sst s5  }
0xe: {  	[smem:$0x3FAF] =	sst s6  }
0xf: {  	[smem:$0x3FB0] =	sst s7  }
0x10: {  	[smem:$0x3FB1] =	sst s8  }
0x11: {  	[smem:$0x3FB2] =	sst s9;
	s0 =	simm.s32 @!p0 $0x0  }
0x12: {  	s1 =	sld [smem:$0x3F98];
	s0 =	simm.s32 @p0 $0x1  }
0x13: {  	[smem:$0x3FB3] =	sst s0;
	s0 =	simm.s32 @!p1 $0x0  }
0x14: {  	s2 =	sld [smem:$0x3F97];
	s0 =	simm.s32 @p1 $0x1  }
0x15: {  	[smem:$0x3FB4] =	sst s0;
	s0 =	simm.s32 @!p2 $0x0  }
0x16: {  	s3 =	sld [smem:$0x3FDB];
	s0 =	simm.s32 @p2 $0x1  }
0x17: {  	s4 =	simm.s32 $0x1BF5;
	[smem:$0x3FB6] =	sst s0  }
0x18: {  	s0 =	sld [smem:$0x3F99];
	_ =	swait.ge [sflag:s4], $0x0  }
0x19: {  	s7 =	sld [smem:$0x3F9A]  }
0x1a: {  	s8 =	sadd.s32 $0xFFFFE003, lr  }
0x1b: {  	s9 =	sadd.s32 $0xFFFFFEF7, lr;
	s5 =	simm.s32 $0xFFFFFFFF;
	p2 =	slt.u32 s8, $0xFFFFF086  }
0x1c: {  	p1 =	slt.u32 s9, $0xF7A;
	s5 =	simm.s32 @!p2 $0x0  }
0x1d: {  	s5 =	simm.s32 @p1 $0x1;
	p0 =	seq.s32 s7, s2  }
0x1e: {  	s7 =	smul.u32 @!p0 $0xF7A, s2;
	p2 =	seq.s32 @!p0 s5, $0x0  }
0x1f: {  	s9 =	smul.u32 $0xF7A, s1;
	s8 =	simm.s32 @!p0 $0x1BF5;
	p2 =	por !p2, p0  }
0x20: {  	[sflag:s8] =	ssyncset.s32 @!p0 $0xFFFFF086;
	s6 =	sadd.s32 @!p0 s3, s7;
	s7 =	simm.s32 @!p0 $0x108  }
0x21: {  	s3 =	sadd.s32 s3, s9;
	s6 =	sadd.s32 @!p0 $0x88, s6;
	s7 =	simm.s32 @p2 $0x1082  }
0x22: {  	[simem:s7], [sflag:s8] =	dma.local @!p0 [hbm:s6], $0xF7A  }
0x23: {  	s9 =	sor.u32 $0xD0000000, s2;
	s6 =	simm.s32 $0x108;
	_ =	swait.ge @!p0 [sflag:s8], $0x0  }
0x24: {  	s3 =	sadd.s32 $0x88, s3;
	s6 =	simm.s32 @!p1 $0x1082;
	[sflag:s4] =	ssyncset.s32 $0xFFFFF086  }
0x25: {  	[simem:s6], [sflag:s4] =	dma.local [hbm:s3], $0xF7A  }
0x26: {  	[smem:$0x3F9A] =	sst s1;
	(tag) =	ssettag s2;
	_ =	strace s9  }
0x27: {  	s1 =	sld [smem:$0x3FAA]  }
0x28: {  	s2 =	sld [smem:$0x3FAB]  }
0x29: {  	s4 =	sld [smem:$0x3FAD]  }
0x2a: {  	p0 =	seq.s32 s5, $0x0;
	s5 =	sld [smem:$0x3FAE]  }
0x2b: {  	s6 =	sld [smem:$0x3FAF]  }
0x2c: {  	s7 =	sld [smem:$0x3FB0]  }
0x2d: {  	s3 =	simm.s32 $0x108;
	s8 =	sld [smem:$0x3FB1]  }
0x2e: {  	s3 =	simm.s32 @!p0 $0x1082;
	s9 =	sld [smem:$0x3FB2]  }
0x2f: {  	lr =	sadd.s32 s0, s3;
	s0 =	sld [smem:$0x3FA9]  }
0x30: {  	s3 =	sld [smem:$0x3FAC]  }
0x31: {  	[smem:$0x3FB5] =	sst s10  }
0x32: {  	s10 =	sld [smem:$0x3FB3];
	_ =	sdelay $0x3  }
0x33: {  	p0 =	seq.s32 s10, $0x1;
	s10 =	sld [smem:$0x3FB5];
	_ =	sdelay $0x3  }
0x34: {  	[smem:$0x3FB5] =	sst s10  }
0x35: {  	s10 =	sld [smem:$0x3FB4];
	_ =	sdelay $0x3  }
0x36: {  	p1 =	seq.s32 s10, $0x1;
	s10 =	sld [smem:$0x3FB5];
	_ =	sdelay $0x3  }
0x37: {  	[smem:$0x3FB5] =	sst s10  }
0x38: {  	s10 =	sld [smem:$0x3FB6]  }
0x39: {  	_ = 	snop;
	(pc) =	sbr.ind lr, $3  }
0x3a: {  	_ = 	snop  }
0x3b: {  	_ = 	snop  }
0x3c: {  	p2 =	seq.s32 s10, $0x1;
	s10 =	sld [smem:$0x3FB5]  }
0x3d: {  	_ =	shalt  }
0x3e: {  	_ =	shalt  }
0x3f: {  	_ =	shalt  }
0x40: {  	_ =	shalt  }
0x41: {  	_ =	shalt  }
0x42: {  	_ =	shalt  }
0x43: {  	_ =	shalt  }
0x44: {  	_ =	shalt  }
0x45: {  	_ =	shalt  }
0x46: {  	_ =	shalt  }
0x47: {  	_ =	shalt  }
0x48: {  	_ =	shalt  }
0x49: {  	_ =	shalt  }
0x4a: {  	_ =	shalt  }
0x4b: {  	_ =	shalt  }
0x4c: {  	_ =	shalt  }
0x4d: {  	_ =	shalt  }
0x4e: {  	_ =	shalt  }
0x4f: {  	_ =	shalt  }
0x50: {  	_ =	shalt  }
0x51: {  	_ =	shalt  }
0x52: {  	_ =	shalt  }
0x53: {  	_ =	shalt  }
0x54: {  	_ =	shalt  }
0x55: {  	_ =	shalt  }
0x56: {  	_ =	shalt  }
0x57: {  	_ =	shalt  }
0x58: {  	_ =	shalt  }
0x59: {  	_ =	shalt  }
0x5a: {  	_ =	shalt  }
0x5b: {  	_ =	shalt  }
0x5c: {  	_ =	shalt  }
0x5d: {  	_ =	shalt  }
0x5e: {  	_ =	shalt  }
0x5f: {  	_ =	shalt  }
0x60: {  	_ =	shalt  }
0x61: {  	_ =	shalt  }
0x62: {  	_ =	shalt  }
0x63: {  	_ =	shalt  }
0x64: {  	_ =	shalt  }
0x65: {  	_ =	shalt  }
0x66: {  	_ =	shalt  }
0x67: {  	_ =	shalt  }
0x68: {  	_ =	shalt  }
0x69: {  	_ =	shalt  }
0x6a: {  	_ =	shalt  }
0x6b: {  	_ =	shalt  }
0x6c: {  	_ =	shalt  }
0x6d: {  	_ =	shalt  }
0x6e: {  	_ =	shalt  }
0x6f: {  	_ =	shalt  }
0x70: {  	_ =	shalt  }
0x71: {  	_ =	shalt  }
0x72: {  	_ =	shalt  }
0x73: {  	_ =	shalt  }
0x74: {  	_ =	shalt  }
0x75: {  	_ =	shalt  }
0x76: {  	_ =	shalt  }
0x77: {  	_ =	shalt  }
0x78: {  	_ =	shalt  }
0x79: {  	_ =	shalt  }
0x7a: {  	_ =	shalt  }
0x7b: {  	_ =	shalt  }
0x7c: {  	_ =	shalt  }
0x7d: {  	_ =	shalt  }
0x7e: {  	_ =	shalt  }
0x7f: {  	_ =	shalt  }
0x80: {  	_ =	shalt  }
0x81: {  	_ =	shalt  }
0x82: {  	_ =	shalt  }
0x83: {  	_ =	shalt  }
0x84: {  	_ =	shalt  }
0x85: {  	_ =	shalt  }
0x86: {  	_ =	shalt  }
0x87: {  	_ =	shalt  }
.Lfunc_end0:
.L_simem_size_0:
called_computation_lowered:
.L_overlay_start_0:
0x88: {  	s2 =	sld [smem:$0x3FD9]  }
0x89: {  	s3 =	sld [smem:$0x3FFE];
	_ =	sdelay $0x1  }
0x8a: {  	s1 =	srdreg.scid  }
0x8b: {  	s0 =	sand.u32 $0x1, s1  }
0x8c: {  	s14 =	sshll.u32 s0, $0xA;
	s2 =	sadd.s32 s3, s2  }
0x8d: {  	s2 =	sadd.s32 s2, s14  }
0x8e: {  	[smem:$0x3FC1] =	sst s2  }
0x8f: {  	_ = 	snop  }
0x90: {  	s2 =	sld [smem:$0x3FD0]  }
0x91: {  	s15 =	sld [smem:$0x3FC5]  }
0x92: {  	s4 =	sld [smem:$0x3FC4]  }
0x93: {  	s6 =	simm.s32 $0xA;
	s7 =	simm.s32 $0x10;
	s5 =	sld [smem:$0x3FC3]  }
0x94: {  	[smem:s7], [sflag:s6] =	dma.local [hbm:s2], $0x1  }
0x95: {  	_ =	swait.eq [sflag:s6], $0x1  }
0x96: {  	[sflag:s6] =	ssyncset.done $0x0  }
0x97: {  	s16 =	sld [smem:$0x10];
	[sflag:s6] =	ssyncadd.s32 $0xFFFFFFFF  }
0x98: {  	s17 =	sld [smem:$0x11];
	(tm) =	ssettm $0x1  }
0x99: {  	s18 =	sld [smem:$0x3FFB];
	_ =	sdelay $0x3  }
0x9a: {  	_ =	strace s18  }
0x9b: {  	s7 =	sld [smem:$0x3FFC];
	_ =	sdelay $0x3  }
0x9c: {  	_ =	strace s7  }
0x9d: {  	s7 =	sld [smem:$0x3FFD];
	_ =	sdelay $0x3  }
0x9e: {  	_ =	strace s7  }
0x9f: {  	_ =	strace $0x8FFFFFFF  }
0xa0: {  	s19 =	sld [smem:$0x3FDB];
	_ =	sdelay $0x1  }
0xa1: {  	s8 =	simm.s32 $_scs_section_size  }
0xa2: {  	s9 =	simm.s32 $_size__tile_overlayer_lowered;
	s10 =	simm.s32 $_tile_overlayer_lowered  }
0xa3: {  	s22 =	simm.s32 $0x1BFF;
	s21 =	sshll.u32 s10, $0x1;
	s7 =	sadd.s32 s8, s19  }
0xa4: {  	s11 =	simm.s32 $0x0;
	s20 =	sshll.u32 s9, $0x1;
	s9 =	sadd.s32 s21, s7  }
0xa5: {  	[timem:s11], [sflag:s22] =	dma.local [hbm:s9], s20  }
0xa6: {  	_ =	swait.ge [sflag:s22], s20  }
0xa7: {  	s8 =	ssub.s32 $0x0, s20;
	[sflag:s22] =	ssyncset.done $0x0  }
0xa8: {  	[sflag:s22] =	ssyncadd.s32 s8;
	_ =	sdelay $0x1  }
0xa9: {  	s23 =	simm.s32 $0x1B8B  }
0xaa: {  	_ =	swait.ge [sflag:s23], $0x1  }
0xab: {  	[sflag:s23] =	ssyncset.done $0x0  }
0xac: {  	s25 =	simm.s32 $0x1B8E;
	s24 =	sld [smem:$0x3FFE];
	[sflag:s23] =	ssyncadd.s32 $0xFFFFFFFF  }
0xad: {  	s26 =	simm.s32 $execute0_lowered;
	[smem:$0x3FD2] =	sst s25  }
0xae: {  	s9 =	sshll.u32 s26, $0x1;
	_ =	strace $0x80000046;
	[dreg:$0x1] =	wrdreg $0xFFFFFFFF  }
0xaf: {  	s28 =	simm.s32 $_size_execute0_lowered;
	s7 =	sadd.s32 s7, s9;
	[dreg:$0x0] =	wrdreg $0x0  }
0xb0: {  	s9 =	sshll.u32 s28, $0x1;
	[dreg:$0x2] =	wrdreg s7  }
0xb1: {  	[dreg:$0x3] =	wrdreg s9  }
0xb2: {  	[dreg:$0x4] =	wrdreg $0xC0  }
0xb3: {  	_ =	task [dreg:s11], $0x5FFFF  }
0xb4: {  	[dreg:$0x1] =	wrdreg $0xFFFFFFFF  }
0xb5: {  	[dreg:$0x0] =	wrdreg $0x60  }
0xb6: {  	[dreg:$0x2] =	wrdreg s24  }
0xb7: {  	[dreg:$0x3] =	wrdreg s15  }
0xb8: {  	[dreg:$0x4] =	wrdreg s4  }
0xb9: {  	[dreg:$0x5] =	wrdreg s5  }
0xba: {  	[dreg:$0x6] =	wrdreg s16  }
0xbb: {  	[dreg:$0x7] =	wrdreg s17  }
0xbc: {  	[dreg:$0x8] =	wrdreg $0x9  }
0xbd: {  	_ =	task.clear_ibuf [dreg:s11], $0x9FFFF;
	_ =	strace $0x90000046  }
0xbe: {  	s29 =	simm.s32 $0x9;
	_ =	strace $0x80000048  }
0xbf: {  	_ =	swait.ge [sflag:s29], $0x1  }
0xc0: {  	[sflag:s29] =	ssyncadd.s32 $0xFFFFFFFF  }
0xc1: {  	_ =	strace $0x90000048  }
0xc2: {  	_ =	sfence  }
0xc3: {  	s30 =	sld [smem:$0x0];
	_ =	sdelay $0x2  }
0xc4: {  	s31 =	sshll.u32 s1, $0xD;
	s1 =	sshrl.u32 s1, $0x2  }
0xc5: {  	s3 =	sand.u32 $0x4000, s31;
	s1 =	sadd.s32 s1, s30  }
0xc6: {  	s0 =	sor.u32 s3, s0;
	s1 =	sshll.u32 s1, $0x11  }
0xc7: {  	s0 =	sor.u32 s1, s0  }
0xc8: {  	s0 =	sadd.s32 $0x8F2B, s0  }
0xc9: {  	[sflag:s0] =	ssyncadd.remote.s32 $0x1  }
0xca: {  	_ =	sfence.sel $0xFFFF  }
0xcb: {  	[dreg:$0x0] =	wrdreg $0xFFFFFFFF;
	(pc) =	sbr.abs _section_cstart, $3  }
0xcc: {  	[dreg:$0x1] =	wrdreg $0xFFFFFFFF  }
0xcd: {  	_ =	task.clear_ibuf [dreg:s11], $0x2FFFF;
	_ =	strace $0x9FFFFFFF  }
0xce: {  	(tm) =	ssettm $0x7FFFFFFF  }
0xcf: {  	_ =	shalt  }
tec
execute0_lowered:
.L_overlay_start_1:
0x0: {  	(tag) =	ssettag $0x1  }
0x1: {  	s0 =	rddreg [dreg:$0x0]  }
0x2: {  	s2 =	rddreg [dreg:$0x1]  }
0x3: {  	s6 =	rddreg [dreg:$0x2]  }
0x4: {  	s7 =	rddreg [dreg:$0x3]  }
0x5: {  	s8 =	rddreg [dreg:$0x4]  }
0x6: {  	s9 =	rddreg [dreg:$0x5];
	s1 =	simm.s32 $0x0;
	s3 =	srdreg.scid  }
0x7: {  	s11 =	stileid.u32;
	s13 =	simm.s32 $0x100;
	s14 =	simm.s32 $0x180  }
0x8: {  	s15 =	simm.s32 $0x4180;
	s16 =	simm.s32 $0x8180;
	s17 =	simm.s32 $0x1  }
0x9: {  	s18 =	simm.s32 $0x2;
	s19 =	simm.s32 $0x3;
	s20 =	simm.s32 $0xC180  }
0xa: {  	s21 =	simm.s32 $0xC200;
	s22 =	simm.s32 $0x0;
	[smem:$0x7FF] =	sst s1  }
0xb: {  	s4 =	sand.u32 $0x1, s3;
	s3 =	sadd.s32 $0x1200, s0;
	s11 =	sshll.u32 s11, $0x5  }
0xc: {  	_ =	strace $0x80000047;
	s5 =	ssub.s32 $0x2, s4;
	s12 =	sshll.u32 s4, $0x4  }
0xd: {  	s4 =	sadd.s32 $0x28400, s0;
	s10 =	sshrl.u32 s5, $0x1;
	s31 =	sor.u32 s12, s11  }
0xe: {  	s11 =	simm.s32 $0x4;
	s12 =	simm.s32 $0x80;
	s30 =	ssub.s32 s5, s10  }
0xf: {  	s5 =	sadd.s32 s2, s31;
	s6 =	sadd.s32 s6, s31;
	s7 =	sadd.s32 s7, s31  }
0x10: {  	v0 =	vlaneseq.u32;
	s8 =	sadd.s32 s8, s31;
	s9 =	sadd.s32 s9, s31;
	s10 =	smax.u32 s30, $0x1  }
.LBB2_1:
0x11: {  	[tilespmem:s1], [sflag:$0x4] =	stream.linear.gather [hbm4b:s5+s1], $0x80, $0x38;
	[tilespmem:$0xC280] =	vst v63  }
0x12: {  	_ =	swait.ge [sflag:s11], $0x80  }
0x13: {  	[sflag:s11] =	ssyncset.done $0x0  }
0x14: {  	[sflag:s11] =	ssyncadd.s32 $0xFFFFFF80  }
0x15: {  	[tilespmem:s12], [sflag:$0x4] =	stream.linear.gather [hbm4b:s6+s1], $0x80, $0x38;
	[tilespmem:$0xC280] =	vst v63  }
0x16: {  	_ =	swait.ge [sflag:s11], $0x80  }
0x17: {  	[sflag:s11] =	ssyncset.done $0x0  }
0x18: {  	[sflag:s11] =	ssyncadd.s32 $0xFFFFFF80  }
0x19: {  	[tilespmem:s13], [sflag:$0x4] =	stream.linear.gather [hbm4b:s7+s1], $0x80, $0x38;
	[tilespmem:$0xC280] =	vst v63  }
0x1a: {  	_ =	swait.ge [sflag:s11], $0x80  }
0x1b: {  	[sflag:s11] =	ssyncset.done $0x0  }
0x1c: {  	[sflag:s11] =	ssyncadd.s32 $0xFFFFFF80  }
0x1d: {  	[tilespmem:s14], [sflag:$0x1] =	stream.indirect.gather [hbm4b:s3+s12], $0x80, s1, s12, $0xb8;
	[tilespmem:$0xC280] =	vst v63  }
0x1e: {  	_ = 	snop  }
0x1f: {  	[tilespmem:s15], [sflag:$0x2] =	stream.indirect.gather [hbm4b:s4+s12], $0x80, s12, s12, $0xb8;
	[tilespmem:$0xC280] =	vst v63  }
0x20: {  	_ = 	snop  }
0x21: {  	[tilespmem:s16], [sflag:$0x3] =	stream.indirect.gather [hbm4b:s4+s12], $0x80, s13, s12, $0xb8;
	[tilespmem:$0xC280] =	vst v63  }
0x22: {  	_ =	swait.ge [sflag:s17], $0x4000  }
0x23: {  	[sflag:s17] =	ssyncset.done $0x0  }
0x24: {  	[sflag:s17] =	ssyncadd.s32 $0xFFFFC000  }
0x25: {  	_ =	swait.ge [sflag:s18], $0x4000  }
0x26: {  	[sflag:s18] =	ssyncset.done $0x0  }
0x27: {  	[sflag:s18] =	ssyncadd.s32 $0xFFFFC000  }
0x28: {  	_ =	swait.ge [sflag:s19], $0x4000  }
0x29: {  	s23 =	simm.s32 $0x1C0;
	s24 =	simm.s32 $0x41C0;
	[sflag:s19] =	ssyncset.done $0x0  }
0x2a: {  	s25 =	simm.s32 $0x81C0;
	s26 =	simm.s32 $0x0;
	[sflag:s19] =	ssyncadd.s32 $0xFFFFC000  }
.LBB2_2:
0x2b: {  	v1 =	vld [tilespmem:s24+$0x30]  }
0x2c: {  	v4 =	vld [tilespmem:s24+$0x20]  }
0x2d: {  	v2 =	vld [tilespmem:s24+$0x0]  }
0x2e: {  	v3 =	vld [tilespmem:s24+$0xFFFFFFF0]  }
0x2f: {  	v6 =	vld [tilespmem:s24+$0xFFFFFFE0]  }
0x30: {  	v7 =	vld [tilespmem:s24+$0xFFFFFFD0]  }
0x31: {  	v8 =	vld [tilespmem:s24+$0xFFFFFFC0]  }
0x32: {  	v9 =	vld [tilespmem:s23+$0xFFFFFFC0]  }
0x33: {  	v10 =	vld [tilespmem:s25+$0xFFFFFFC0]  }
0x34: {  	v11 =	vld [tilespmem:s23+$0xFFFFFFD0]  }
0x35: {  	v12 =	vld [tilespmem:s25+$0xFFFFFFD0]  }
0x36: {  	v13 =	vld [tilespmem:s23+$0xFFFFFFE0]  }
0x37: {  	v14 =	vld [tilespmem:s25+$0xFFFFFFE0]  }
0x38: {  	v15 =	vld [tilespmem:s23+$0xFFFFFFF0]  }
0x39: {  	v16 =	vld [tilespmem:s25+$0xFFFFFFF0];
	v10 =	vmul.f32 v10, v9  }
0x3a: {  	v17 =	vld [tilespmem:s25+$0x0];
	v8 =	vmul.f32 v8, v9  }
0x3b: {  	v9 =	vld [tilespmem:s23+$0x0];
	v12 =	vmul.f32 v12, v11;
	v10 =	vadd.f32 $0.0e+00, v10  }
0x3c: {  	v7 =	vmul.f32 v7, v11;
	v11 =	vld [tilespmem:s23+$0x10];
	v8 =	vadd.f32 $0.0e+00, v8  }
0x3d: {  	v10 =	vadd.f32 v12, v10;
	v12 =	vmul.f32 v14, v13;
	v14 =	vld [tilespmem:s25+$0x10]  }
0x3e: {  	v7 =	vadd.f32 v7, v8;
	v8 =	vld [tilespmem:s23+$0x20]  }
0x3f: {  	v6 =	vmul.f32 v6, v13;
	v13 =	vld [tilespmem:s25+$0x20];
	v10 =	vadd.f32 v12, v10;
	v12 =	vmul.f32 v16, v15  }
0x40: {  	v5 =	vld [tilespmem:s24+$0x10];
	v3 =	vmul.f32 v3, v15  }
0x41: {  	v63 =	vld [tilespmem:s23+$0x30];
	v6 =	vadd.f32 v6, v7;
	v7 =	vadd.f32 v12, v10;
	v10 =	vmul.f32 v17, v9  }
0x42: {  	s0 =	sadd.s32 $0x80, s24;
	v12 =	vld [tilespmem:s25+$0x30];
	v9 =	vmul.f32 v2, v9  }
0x43: {  	v2 =	vld [tilespmem:s0+$0x30];
	v6 =	vadd.f32 v3, v6;
	v7 =	vadd.f32 v10, v7;
	v10 =	vmul.f32 v14, v11  }
0x44: {  	v3 =	vld [tilespmem:s0+$0x20];
	v13 =	vmul.f32 v13, v8;
	v4 =	vmul.f32 v4, v8  }
0x45: {  	v8 =	vld [tilespmem:s0+$0xFFFFFFE0];
	v11 =	vmul.f32 v5, v11;
	v9 =	vadd.f32 v9, v6;
	v10 =	vadd.f32 v10, v7  }
0x46: {  	v5 =	vld [tilespmem:s0+$0x10]  }
0x47: {  	v6 =	vld [tilespmem:s0+$0x0];
	v9 =	vadd.f32 v11, v9;
	v12 =	vmul.f32 v12, v63;
	v11 =	vadd.f32 v13, v10  }
0x48: {  	v7 =	vld [tilespmem:s0+$0xFFFFFFF0]  }
0x49: {  	v10 =	vld [tilespmem:s0+$0xFFFFFFD0];
	v14 =	vadd.f32 v12, v11  }
0x4a: {  	s31 =	sadd.s32 $0x80, s23;
	v13 =	vmul.f32 v1, v63;
	v4 =	vadd.f32 v4, v9;
	v11 =	vld [tilespmem:s0+$0xFFFFFFC0]  }
0x4b: {  	s30 =	sadd.s32 $0x80, s25;
	v12 =	vld [tilespmem:s31+$0xFFFFFFC0];
	(xrf2) =	vadd.scan.msk.f32 $0xffff, v14  }
0x4c: {  	s29 =	simm.s32 $0x0;
	s28 =	simm.s32 $0x1;
	s2 =	simm.s32 $0x2;
	v1 =	vimm.f32 $0.0e+00;
	v9 =	vadd.f32 v13, v4;
	v13 =	vld [tilespmem:s30+$0xFFFFFFC0];
	v4 =	vimm.f32 $0.0e+00  }
.LBB2_3:
0x4d: {  	p0 =	sne.s32 s2, $0xF;
	v14 =	vld [tilespmem:s31+$0xFFFFFFD0]  }
0x4e: {  	v15 =	vld [tilespmem:s30+$0xFFFFFFD0];
	(xrf2) =	vadd.scan.msk.f32 $0xffff, v9  }
0x4f: {  	v9 =	vld [tilespmem:s31+$0xFFFFFFE0]  }
0x50: {  	v11 =	vmul.f32 v11, v12;
	v16 =	vld [tilespmem:s30+$0xFFFFFFE0]  }
0x51: {  	v12 =	vmul.f32 v13, v12;
	v13 =	vld [tilespmem:s31+$0xFFFFFFF0]  }
0x52: {  	v11 =	vadd.f32 $0.0e+00, v11;
	v10 =	vmul.f32 v10, v14;
	v17 =	vld [tilespmem:s30+$0xFFFFFFF0]  }
0x53: {  	v12 =	vadd.f32 $0.0e+00, v12;
	v14 =	vmul.f32 v15, v14;
	v15 =	vld [tilespmem:s31+$0x0]  }
0x54: {  	v10 =	vadd.f32 v10, v11;
	v8 =	vmul.f32 v8, v9;
	v11 =	vld [tilespmem:s30+$0x0]  }
0x55: {  	v12 =	vadd.f32 v14, v12;
	v9 =	vmul.f32 v16, v9;
	v14 =	vld [tilespmem:s31+$0x10];
	v16, _, _ =	vpop (xrf2)  }
0x56: {  	v18 =	vmov s29;
	s29 =	smov.u32 s28;
	s28 =	smov.u32 s2;
	v8 =	vadd.f32 v8, v10;
	v10 =	vld [tilespmem:s30+$0x10];
	v19 =	vbroadcast v16, $0xF  }
0x57: {  	vm0 =	veq.s32 v18, v0;
	v9 =	vadd.f32 v9, v12;
	v12 =	vmul.f32 v17, v13;
	v17 =	vld [tilespmem:s31+$0x20]  }
0x58: {  	v7 =	vmul.f32 v7, v13;
	v6 =	vmul.f32 v6, v15;
	v13 =	vld [tilespmem:s30+$0x20];
	v1 =	vsel vm0, v19, v1;
	v16, _, _ =	vpop (xrf2)  }
0x59: {  	v9 =	vadd.f32 v12, v9;
	v11 =	vmul.f32 v11, v15;
	v12 =	vld [tilespmem:s31+$0x30];
	v15 =	vbroadcast v16, $0xF  }
0x5a: {  	s0 =	sadd.s32 $0x80, s0;
	v7 =	vadd.f32 v7, v8;
	v8 =	vmul.f32 v5, v14;
	v16 =	vld [tilespmem:s30+$0x30]  }
0x5b: {  	v18 =	vld [tilespmem:s0+$0x30];
	v9 =	vadd.f32 v11, v9;
	v10 =	vmul.f32 v10, v14;
	v4 =	vsel vm0, v15, v4  }
0x5c: {  	v7 =	vadd.f32 v6, v7;
	v11 =	vmul.f32 v3, v17;
	v3 =	vld [tilespmem:s0+$0x20]  }
0x5d: {  	v5 =	vld [tilespmem:s0+$0x10];
	v9 =	vadd.f32 v10, v9;
	v10 =	vmul.f32 v13, v17  }
0x5e: {  	v13 =	vadd.f32 v8, v7;
	v6 =	vld [tilespmem:s0+$0x0];
	v14 =	vmul.f32 v2, v12  }
0x5f: {  	v7 =	vld [tilespmem:s0+$0xFFFFFFF0];
	v9 =	vadd.f32 v10, v9;
	v12 =	vmul.f32 v16, v12  }
.Ltmp0:
0x60: {  	v13 =	vadd.f32 v11, v13;
	v8 =	vld [tilespmem:s0+$0xFFFFFFE0];
	v2 =	vmov v18;
	(pc) =	sbr.rel @p0 .LBB2_3-.Ltmp0, $4  }
0x61: {  	v10 =	vld [tilespmem:s0+$0xFFFFFFD0];
	v15 =	vadd.f32 v12, v9  }
0x62: {  	s31 =	sadd.s32 $0x80, s31;
	v9 =	vadd.f32 v14, v13;
	v11 =	vld [tilespmem:s0+$0xFFFFFFC0]  }
0x63: {  	s30 =	sadd.s32 $0x80, s30;
	v12 =	vld [tilespmem:s31+$0xFFFFFFC0];
	(xrf2) =	vadd.scan.msk.f32 $0xffff, v15  }
0x64: {  	s2 =	sadd.s32 $0x1, s2;
	v13 =	vld [tilespmem:s30+$0xFFFFFFC0]  }
0x65: {  	v14 =	vld [tilespmem:s31+$0xFFFFFFD0]  }
0x66: {  	v15 =	vld [tilespmem:s30+$0xFFFFFFD0]  }
0x67: {  	v16 =	vld [tilespmem:s31+$0xFFFFFFE0]  }
0x68: {  	v17 =	vld [tilespmem:s30+$0xFFFFFFE0]  }
0x69: {  	v18 =	vld [tilespmem:s31+$0xFFFFFFF0];
	v13 =	vmul.f32 v13, v12  }
0x6a: {  	v46 =	vld [tilespmem:s30+$0xFFFFFFF0];
	v11 =	vmul.f32 v11, v12  }
0x6b: {  	v19 =	vld [tilespmem:s31+$0x0];
	v15 =	vmul.f32 v15, v14;
	v13 =	vadd.f32 $0.0e+00, v13  }
0x6c: {  	v47 =	vld [tilespmem:s30+$0x0];
	v11 =	vadd.f32 $0.0e+00, v11;
	v10 =	vmul.f32 v10, v14  }
0x6d: {  	v49 =	vld [tilespmem:s31+$0x10];
	v48 =	vmul.f32 v17, v16;
	v13 =	vadd.f32 v15, v13  }
0x6e: {  	v50 =	vld [tilespmem:s30+$0x10];
	v8 =	vmul.f32 v8, v16;
	v10 =	vadd.f32 v10, v11  }
0x6f: {  	v51 =	vld [tilespmem:s31+$0x20];
	v12 =	vmul.f32 v46, v18;
	v13 =	vadd.f32 v48, v13  }
0x70: {  	v52 =	vld [tilespmem:s30+$0x20];
	v7 =	vmul.f32 v7, v18;
	v8 =	vadd.f32 v8, v10  }
0x71: {  	v54 =	vld [tilespmem:s31+$0x30];
	v53 =	vmul.f32 v47, v19;
	v12 =	vadd.f32 v12, v13  }
0x72: {  	v55 =	vld [tilespmem:s30+$0x30];
	v6 =	vmul.f32 v6, v19;
	v7 =	vadd.f32 v7, v8  }
0x73: {  	v11 =	vmul.f32 v50, v49;
	v12 =	vadd.f32 v53, v12  }
0x74: {  	v5 =	vmul.f32 v5, v49;
	v6 =	vadd.f32 v6, v7  }
0x75: {  	v10 =	vmul.f32 v52, v51;
	v56 =	vadd.f32 v11, v12  }
0x76: {  	v3 =	vmul.f32 v3, v51;
	v5 =	vadd.f32 v5, v6  }
0x77: {  	v58 =	vmul.f32 v55, v54;
	v57 =	vadd.f32 v10, v56  }
0x78: {  	v2 =	vmul.f32 v2, v54;
	v3 =	vadd.f32 v3, v5  }
0x79: {  	v59 =	vadd.f32 v58, v57  }
0x7a: {  	(xrf2) =	vadd.scan.msk.f32 $0xffff, v9;
	v2 =	vadd.f32 v2, v3  }
0x7b: {  	(xrf2) =	vadd.scan.msk.f32 $0xffff, v59  }
0x7c: {  	(xrf2) =	vadd.scan.msk.f32 $0xffff, v2;
	_ =	sdelay $0x6  }
0x7d: {  	v2, _, _ =	vpop (xrf2)  }
0x7e: {  	s0 =	sshll.u32 s26, $0x4;
	s26 =	sadd.s32 $0x1, s26;
	v3, _, _ =	vpop (xrf2)  }
0x7f: {  	v60 =	vmov s29;
	v62 =	vmov s28;
	p0 =	sne.s32 s26, $0x8;
	v2 =	vbroadcast v2, $0xF;
	v5, _, _ =	vpop (xrf2)  }
.Ltmp1:
0x80: {  	vm0 =	veq.s32 v60, v0;
	v3 =	vbroadcast v3, $0xF;
	v61, _, _ =	vpop (xrf2);
	v63 =	vbroadcast v5, $0xF;
	(pc) =	sbr.rel @p0 .LBB2_2-.Ltmp1, $4  }
0x81: {  	vm1 =	veq.s32 v62, v0;
	v1 =	vsel vm0, v2, v1;
	v7 =	vbroadcast v61, $0xF  }
0x82: {  	v3 =	vsel vm0, v3, v4;
	v1 =	vsel vm1, v63, v1  }
0x83: {  	v2 =	vsel vm1, v7, v3;
	[tilespmem:s0+$0xC200] =	vst v1  }
0x84: {  	s23 =	sadd.s32 $0x800, s23;
	s24 =	sadd.s32 $0x800, s24;
	s25 =	sadd.s32 $0x800, s25;
	[tilespmem:s0+$0xC180] =	vst v2  }
0x85: {  	[hbm4b:s8+s1] =	stream.linear.scatter [tilespmem:s20], [sflag:$0x4], $0x80, $0x38;
	[tilespmem:$0xC280] =	vst v63  }
0x86: {  	s22 =	sadd.s32 $0x1, s22;
	_ =	swait.ge [sflag:s11], $0x80  }
0x87: {  	p0 =	sne.s32 s22, s10;
	[sflag:s11] =	ssyncset.done $0x0  }
.Ltmp2:
0x88: {  	[sflag:s11] =	ssyncadd.s32 $0xFFFFFF80;
	(pc) =	sbr.rel @p0 .LBB2_1-.Ltmp2, $4  }
0x89: {  	[hbm4b:s9+s1] =	stream.linear.scatter [tilespmem:s21], [sflag:$0x4], $0x80, $0x38;
	[tilespmem:$0xC280] =	vst v63  }
0x8a: {  	_ =	swait.ge [sflag:s11], $0x80  }
0x8b: {  	[sflag:s11] =	ssyncset.done $0x0  }
0x8c: {  	[sflag:s11] =	ssyncadd.s32 $0xFFFFFF80  }
0x8d: {  	_ =	sfence.sel $0x180000  }
0x8e: {  	[bflag:$0x0] =	sbarrier.arrive $0xFFFF  }
0x8f: {  	_ =	strace $0x90000047  }
0x90: {  	s0 =	stileid.u32;
	[bflag:$0x2] =	sbarrier.arrive $0xFFFF  }
0x91: {  	p0 =	sne.s32 s0, $0x0;
	s0 =	rddreg [dreg:$0x6]  }
0x92: {  	s0 =	sadd.s32 @!p0 $0x100000, s0  }
0x93: {  	[sflag:s0] =	ssyncadd.tile.s32 @!p0 $0x1;
	_ =	shalt  }
.Lfunc_end2:
_tile_overlayer_lowered:
.L_overlay_start_2:
0x94: {  	(tag) =	ssettag $0x2  }
0x95: {  	s0 =	rddreg [dreg:$0x0];
	s2 =	stileid.u32  }
0x96: {  	s1 =	rddreg [dreg:$0x1];
	p0 =	sne.s32 s2, $0x0  }
0x97: {  	s3 =	rddreg [dreg:$0x2];
	[bflag:$0x3] =	sbarrier.arrive $0xFFFF;
	s2 =	simm.s32 @!p0 $0x1C04  }
0x98: {  	[timem:s3], [sflag:s2] =	dma.local @!p0 [hbm:s0], s1  }
0x99: {  	s0 =	simm.s32 @!p0 $0x4  }
0x9a: {  	_ =	swait.ge @!p0 [sflag:s0], s1  }
0x9b: {  	s1 =	ssub.s32 @!p0 $0x0, s1;
	[sflag:s0] =	ssyncset.done @!p0 $0x0  }
0x9c: {  	[sflag:s0] =	ssyncadd.s32 @!p0 s1  }
0x9d: {  	[bflag:$0x3] =	sbarrier.arrive $0xFFFF  }
0x9e: {  	_ =	shalt  }

</sc_bundles>
